<compile_context>
chip_gen: v7x
topology: tpu7x:2x2x1
jax: 0.10.2.dev20260603
libtpu: 0.0.44.dev20260713+nightly
codegen_flags: <defaults>
</compile_context>

<pallas_src>
import functools

import jax
import jax.numpy as jnp
from jax import lax
from jax.experimental import pallas as pl
from jax.experimental.pallas import tpu as pltpu
from jax.experimental.pallas import tpu_sc as plsc

_BETA = 0.25


def _dist_argmin_kernel(z_ref, w_ref, idx_ref, wpad_ref):
    i = pl.program_id(0)
    zb = z_ref[...]
    w = w_ref[...]
    bn = zb.shape[0]
    k = w.shape[0]

    a = jnp.sum(zb * zb, axis=1, keepdims=True) * -0.5
    b_row = jnp.sum(w * w, axis=1, keepdims=True).T
    zb16 = zb.astype(jnp.bfloat16)
    w16 = w.astype(jnp.bfloat16)

    group = 2048
    chunk = 2048
    iota = lax.broadcasted_iota(jnp.int32, (bn, chunk), 1)
    accv = jnp.full((bn, 1), jnp.inf, dtype=jnp.float32)
    acci = jnp.zeros((bn, 1), dtype=jnp.int32)
    for g in range(k // group):
        gmin = gidx = None
        for c in range(group // chunk):
            off = g * group + c * chunk
            dot = lax.dot_general(
                zb16, w16[off:off + chunk],
                (((1,), (1,)), ((), ())),
                preferred_element_type=jnp.float32)
            sub = a / b_row[:, off:off + chunk] * dot
            m = jnp.min(sub, axis=1, keepdims=True)
            ix = jnp.min(jnp.where(sub == m, iota, chunk),
                         axis=1, keepdims=True) + off
            if gmin is None:
                gmin, gidx = m, ix
            else:
                later = m < gmin
                gidx = jnp.where(later, ix, gidx)
                gmin = jnp.where(later, m, gmin)
        take = gmin < accv
        accv = jnp.where(
            take, gmin.astype(jnp.bfloat16).astype(jnp.float32), accv)
        acci = jnp.where(take, gidx, acci)
    idx_ref[...] = acci[:, 0]

    @pl.when(i == 0)
    def _():
        wpad_ref[...] = jnp.concatenate(
            [w, jnp.zeros((k, 128 - w.shape[1]), jnp.float32)], axis=1)


def _st_loss_kernel(z_ref, zq_ref, st_ref, loss_ref):
    zb = z_ref[...]
    zq = zq_ref[:, :zb.shape[1]]
    st_ref[...] = zb + (zq - zb)
    loss_ref[...] = jnp.sum((zq - zb) ** 2).reshape(1, 1)


def _make_sc_gather(v, b):
    info = plsc.get_sparse_core_info()
    nw = info.num_cores * info.num_subcores
    b_per_w = b // nw
    mesh = plsc.VectorSubcoreMesh(core_axis_name="c", subcore_axis_name="s")

    @functools.partial(
        pl.kernel, mesh=mesh,
        out_type=jax.ShapeDtypeStruct((b, 128), jnp.float32),
        scratch_types=[
            pltpu.VMEM((b_per_w,), jnp.int32),
            pltpu.VMEM((b_per_w, 128), jnp.float32),
            pltpu.SemaphoreType.DMA,
        ],
    )
    def gather(table_hbm, idx_hbm, out_hbm, idx_v, rows_v, sem):
        wid = lax.axis_index("s") * info.num_cores + lax.axis_index("c")
        base = wid * b_per_w
        pltpu.sync_copy(idx_hbm.at[pl.ds(base, b_per_w)], idx_v)
        pltpu.async_copy(table_hbm.at[idx_v], rows_v, sem).wait()
        pltpu.sync_copy(rows_v, out_hbm.at[pl.ds(base, b_per_w)])

    return gather


def kernel(z_e, W):
    lead_shape = z_e.shape[:-1]
    d_dim = z_e.shape[-1]
    n = 1
    for s in lead_shape:
        n *= s
    k = W.shape[0]
    z_flat = z_e.reshape(n, d_dim)

    bn = 2048
    idx, wpad = pl.pallas_call(
        _dist_argmin_kernel,
        grid=(n // bn,),
        in_specs=[
            pl.BlockSpec((bn, d_dim), lambda i: (i, 0)),
            pl.BlockSpec((k, d_dim), lambda i: (0, 0)),
        ],
        out_specs=[
            pl.BlockSpec((bn,), lambda i: (i,)),
            pl.BlockSpec((k, 128), lambda i: (0, 0)),
        ],
        out_shape=[
            jax.ShapeDtypeStruct((n,), jnp.int32),
            jax.ShapeDtypeStruct((k, 128), jnp.float32),
        ],
    )(z_flat, W)

    rows = _make_sc_gather(k, n)(wpad, idx)

    st, loss_acc = pl.pallas_call(
        _st_loss_kernel,
        grid=(1,),
        in_specs=[
            pl.BlockSpec((n, d_dim), lambda i: (0, 0)),
            pl.BlockSpec((n, 128), lambda i: (0, 0)),
        ],
        out_specs=[
            pl.BlockSpec((n, d_dim), lambda i: (0, 0)),
            pl.BlockSpec((1, 1), lambda i: (0, 0)),
        ],
        out_shape=[
            jax.ShapeDtypeStruct((n, d_dim), jnp.float32),
            jax.ShapeDtypeStruct((1, 1), jnp.float32),
        ],
    )(z_flat, rows)

    z_q_st = st.reshape(z_e.shape)
    encoding_indices = idx.reshape(lead_shape)
    loss_vq = loss_acc[0, 0] * ((1.0 + _BETA) / (n * d_dim))
    return (z_q_st, encoding_indices, loss_vq)

# --- scband reference (transcript-rebuilt; emitter-appended) ---
"""Pipeline reference for scband-vector-quantizer-75582834475424 (READ-ONLY COPY).

The authoritative reference and input builder live on the scoring server;
editing this copy changes nothing except your own understanding.
"""

import jax, jax.numpy as jnp
import numpy as np

CODEBOOK_SIZE = 8192
EMBEDDING_DIM = 32
BETA = 0.25


def setup_inputs(seed: int = 0) -> dict:
    key = jax.random.key(seed)
    k1, k2 = jax.random.split(key)
    z_e = jax.random.normal(k1, (8, 1024, EMBEDDING_DIM), dtype=jnp.float32)
    W = jax.random.uniform(k2, (CODEBOOK_SIZE, EMBEDDING_DIM), dtype=jnp.float32,
                           minval=-1.0 / CODEBOOK_SIZE, maxval=1.0 / CODEBOOK_SIZE)
    return {"z_e": z_e, "W": W}


def reference(z_e, W):
    z_e_flat = z_e.reshape(-1, EMBEDDING_DIM)
    # Faithful to torch: sum(z^2,keepdim) / sum(w^2) / -2 * (z @ W.T)
    distances = jnp.sum(z_e_flat ** 2, axis=1, keepdims=True) / jnp.sum(W ** 2, axis=1) / -2.0 * jnp.matmul(z_e_flat, W.T)
    encoding_indices = jnp.argmin(distances, axis=1).reshape(z_e.shape[:-1])
    z_q = jnp.take(W, encoding_indices, axis=0)
    loss_vq = jnp.mean((jax.lax.stop_gradient(z_q) - z_e) ** 2) + BETA * jnp.mean((z_q - jax.lax.stop_gradient(z_e)) ** 2)
    z_q_st = z_e + jax.lax.stop_gradient(z_q - z_e)
    return (z_q_st, encoding_indices, loss_vq)

if __name__ == "__main__":
    import jax
    _d = setup_inputs()
    print(jax.jit(kernel)(*tuple(_d.values())))

</pallas_src>

<mosaic_0001>
#map = affine_map<(d0, d1) -> (0, 0)>
#map1 = affine_map<(d0, d1) -> (0)>
module attributes {stable_mosaic.version = 14 : i64} {
  func.func @gather(%arg0: i32, %arg1: i32, %arg2: memref<8192x128xf32, #tpu.memory_space<hbm>>, %arg3: memref<8192xi32, #tpu.memory_space<hbm>>, %arg4: memref<8192x128xf32, #tpu.memory_space<hbm>>, %arg5: memref<256xi32, #tpu.memory_space<vmem>>, %arg6: memref<256x128xf32, #tpu.memory_space<vmem>>, %arg7: memref<!tpu.dma_semaphore, #tpu.memory_space<semaphore_mem>>) attributes {dimension_semantics = [#tpu.dimension_semantics<core_parallel>, #tpu.dimension_semantics<subcore_parallel>], iteration_bounds = array<i64: 2, 16>, scalar_prefetch = 0 : i64, scratch_operands = 3 : i64, tpu.core_type = #tpu.core_type<sc_vector_subcore>, window_params = [{transform_indices = #map}, {transform_indices = #map1}, {transform_indices = #map}]} {
    %mul3A = arith.constant 2 : i32
    %mul3A_0 = arith.muli %arg1, %mul3A : i32
    %add3A = arith.addi %mul3A_0, %arg0 : i32
    %mul3A_1 = arith.constant 256 : i32
    %mul3A_2 = arith.muli %add3A, %mul3A_1 : i32
    "tpu.region"() ({
      %run_scoped3A = tpu.sem_alloc : memref<!tpu.dma_semaphore, #tpu.memory_space<semaphore_mem>>
      %dma_start3A_7 = tpu.memref_slice %arg3[%mul3A_2] : memref<8192xi32, #tpu.memory_space<hbm>> -> memref<256xi32, #tpu.memory_space<hbm>>
      %dma_start3A_8 = tpu.memref_slice %arg3[%mul3A_2] : memref<8192xi32, #tpu.memory_space<hbm>> -> memref<256xi32, #tpu.memory_space<hbm>>
      tpu.enqueue_dma source(%dma_start3A_8 : memref<256xi32, #tpu.memory_space<hbm>>) target(%arg5 : memref<256xi32, #tpu.memory_space<vmem>>) target_semaphore(%run_scoped3A : memref<!tpu.dma_semaphore, #tpu.memory_space<semaphore_mem>>)
      %dma_wait3A_9 = tpu.memref_slice %arg3[%mul3A_2] : memref<8192xi32, #tpu.memory_space<hbm>> -> memref<256xi32, #tpu.memory_space<hbm>>
      %dma_wait3A_10 = tpu.memref_slice %arg3[%mul3A_2] : memref<8192xi32, #tpu.memory_space<hbm>> -> memref<256xi32, #tpu.memory_space<hbm>>
      tpu.wait_dma2 semaphore(%run_scoped3A : memref<!tpu.dma_semaphore, #tpu.memory_space<semaphore_mem>>) src(%dma_wait3A_10 : memref<256xi32, #tpu.memory_space<hbm>>) dst(%arg5 : memref<256xi32, #tpu.memory_space<vmem>>)
      tpu.yield
    }) : () -> ()
    %dma_start3A = arith.constant 0 : i32
    %dma_start3A_3 = arith.constant 0 : i32
    %dma_start3A_4 = tpu.memref_slice %arg2[%dma_start3A, %dma_start3A_3] : memref<8192x128xf32, #tpu.memory_space<hbm>> -> memref<8192x128xf32, #tpu.memory_space<hbm>>
    tpu.enqueue_indirect_dma source(%dma_start3A_4 : memref<8192x128xf32, #tpu.memory_space<hbm>>) target(%arg6 : memref<256x128xf32, #tpu.memory_space<vmem>>) offsets(%arg5 : memref<256xi32, #tpu.memory_space<vmem>>) semaphore(%arg7 : memref<!tpu.dma_semaphore, #tpu.memory_space<semaphore_mem>>)
    %dma_wait3A = arith.constant 0 : i32
    %dma_wait3A_5 = arith.constant 0 : i32
    %dma_wait3A_6 = tpu.memref_slice %arg2[%dma_wait3A, %dma_wait3A_5] : memref<8192x128xf32, #tpu.memory_space<hbm>> -> memref<8192x128xf32, #tpu.memory_space<hbm>>
    tpu.wait_indirect_dma semaphore(%arg7 : memref<!tpu.dma_semaphore, #tpu.memory_space<semaphore_mem>>) src(%dma_wait3A_6 : memref<8192x128xf32, #tpu.memory_space<hbm>>) dst(%arg6 : memref<256x128xf32, #tpu.memory_space<vmem>>)
    "tpu.region"() ({
      %run_scoped3A = tpu.sem_alloc : memref<!tpu.dma_semaphore, #tpu.memory_space<semaphore_mem>>
      %dma_start3A_7 = arith.constant 0 : i32
      %dma_start3A_8 = tpu.memref_slice %arg4[%mul3A_2, %dma_start3A_7] : memref<8192x128xf32, #tpu.memory_space<hbm>> -> memref<256x128xf32, #tpu.memory_space<hbm>>
      %dma_start3A_9 = arith.constant 0 : i32
      %dma_start3A_10 = tpu.memref_slice %arg4[%mul3A_2, %dma_start3A_9] : memref<8192x128xf32, #tpu.memory_space<hbm>> -> memref<256x128xf32, #tpu.memory_space<hbm>>
      tpu.enqueue_dma source(%arg6 : memref<256x128xf32, #tpu.memory_space<vmem>>) target(%dma_start3A_10 : memref<256x128xf32, #tpu.memory_space<hbm>>) target_semaphore(%run_scoped3A : memref<!tpu.dma_semaphore, #tpu.memory_space<semaphore_mem>>)
      %dma_wait3A_11 = arith.constant 0 : i32
      %dma_wait3A_12 = tpu.memref_slice %arg4[%mul3A_2, %dma_wait3A_11] : memref<8192x128xf32, #tpu.memory_space<hbm>> -> memref<256x128xf32, #tpu.memory_space<hbm>>
      %dma_wait3A_13 = arith.constant 0 : i32
      %dma_wait3A_14 = tpu.memref_slice %arg4[%mul3A_2, %dma_wait3A_13] : memref<8192x128xf32, #tpu.memory_space<hbm>> -> memref<256x128xf32, #tpu.memory_space<hbm>>
      tpu.wait_dma2 semaphore(%run_scoped3A : memref<!tpu.dma_semaphore, #tpu.memory_space<semaphore_mem>>) src(%arg6 : memref<256x128xf32, #tpu.memory_space<vmem>>) dst(%dma_wait3A_14 : memref<256x128xf32, #tpu.memory_space<hbm>>)
      tpu.yield
    }) : () -> ()
    return
  }
}

module attributes {stable_mosaic.version = 14 : i64} {
  func.func @_dist_argmin_kernel(%arg0: i32, %arg1: memref<2048x32xf32, #tpu.memory_space<vmem>>, %arg2: memref<8192x32xf32, #tpu.memory_space<vmem>>, %arg3: memref<2048xi32, #tpu.memory_space<vmem>>, %arg4: memref<8192x128xf32, #tpu.memory_space<vmem>>) attributes {dimension_semantics = [#tpu.dimension_semantics<arbitrary>], iteration_bounds = array<i64: 4>, scalar_prefetch = 0 : i64, scratch_operands = 0 : i64, tpu.core_type = #tpu.core_type<tc>, window_params = [{transform_indices = @transform_0, window_bounds = array<i64: 2048, 32>}, {pipeline_mode = #tpu.pipeline_mode<synchronous>, transform_indices = @transform_1, window_bounds = array<i64: 8192, 32>}, {transform_indices = @transform_2, window_bounds = array<i64: 2048>}, {pipeline_mode = #tpu.pipeline_mode<synchronous>, transform_indices = @transform_3, window_bounds = array<i64: 8192, 128>}]} {
    %get3A = arith.constant 0 : index
    %get3A_0 = arith.constant 0 : index
    %get3A_1 = vector.load %arg1[%get3A, %get3A_0] : memref<2048x32xf32, #tpu.memory_space<vmem>>, vector<2048x32xf32>
    %get3A_2 = arith.constant 0 : index
    %get3A_3 = arith.constant 0 : index
    %get3A_4 = vector.load %arg2[%get3A_2, %get3A_3] : memref<8192x32xf32, #tpu.memory_space<vmem>>, vector<8192x32xf32>
    %mul3A = arith.mulf %get3A_1, %get3A_1 : vector<2048x32xf32>
    %reduce_sum3A = arith.constant dense<0.000000e+00> : vector<2048xf32>
    %reduce_sum3A_5 = vector.multi_reduction <add>, %mul3A, %reduce_sum3A [1] : vector<2048x32xf32> to vector<2048xf32>
    %broadcast_in_dim3A = vector.shape_cast %reduce_sum3A_5 : vector<2048xf32> to vector<2048x1xf32>
    %mul3A_6 = arith.constant -5.000000e-01 : f32
    %mul3A_7 = vector.broadcast %mul3A_6 : f32 to vector<2048x1xf32>
    %mul3A_8 = arith.mulf %broadcast_in_dim3A, %mul3A_7 : vector<2048x1xf32>
    %mul3A_9 = arith.mulf %get3A_4, %get3A_4 : vector<8192x32xf32>
    %reduce_sum3A_10 = arith.constant dense<0.000000e+00> : vector<8192xf32>
    %reduce_sum3A_11 = vector.multi_reduction <add>, %mul3A_9, %reduce_sum3A_10 [1] : vector<8192x32xf32> to vector<8192xf32>
    %broadcast_in_dim3A_12 = vector.shape_cast %reduce_sum3A_11 : vector<8192xf32> to vector<8192x1xf32>
    %transpose3A = tpu.transpose %broadcast_in_dim3A_12, [1, 0] : vector<8192x1xf32> -> vector<1x8192xf32>
    %convert_element_type3A = arith.truncf %get3A_1 : vector<2048x32xf32> to vector<2048x32xbf16>
    %convert_element_type3A_13 = arith.truncf %get3A_4 : vector<8192x32xf32> to vector<8192x32xbf16>
    %iota3A = tpu.iota {dimensions = array<i32: 1>} : vector<2048x2048xi32>
    %broadcast_in_dim3A_14 = arith.constant 0x7F800000 : f32
    %broadcast_in_dim3A_15 = vector.broadcast %broadcast_in_dim3A_14 : f32 to vector<2048x1xf32>
    %broadcast_in_dim3A_16 = arith.constant 0 : i32
    %broadcast_in_dim3A_17 = vector.broadcast %broadcast_in_dim3A_16 : i32 to vector<2048x1xi32>
    %slice3A = vector.extract_strided_slice %convert_element_type3A_13 {offsets = [0, 0], sizes = [2048, 32], strides = [1, 1]} : vector<8192x32xbf16> to vector<2048x32xbf16>
    %dot_general3A = arith.constant dense<0.000000e+00> : vector<2048x2048xf32>
    %dot_general3A_18 = tpu.matmul %convert_element_type3A, %slice3A, %dot_general3A {dimension_numbers = #tpu.dot_dimension_numbers<[1], [1], [0], [0], [0, 0, 1, 0], [], []>, transpose_lhs_hint = false} : vector<2048x32xbf16>, vector<2048x32xbf16>, vector<2048x2048xf32> -> vector<2048x2048xf32>
    %slice3A_19 = vector.extract_strided_slice %transpose3A {offsets = [0, 0], sizes = [1, 2048], strides = [1, 1]} : vector<1x8192xf32> to vector<1x2048xf32>
    %div3A = vector.broadcast %mul3A_8 : vector<2048x1xf32> to vector<2048x2048xf32>
    %div3A_20 = vector.broadcast %slice3A_19 : vector<1x2048xf32> to vector<2048x2048xf32>
    %div3A_21 = arith.divf %div3A, %div3A_20 : vector<2048x2048xf32>
    %mul3A_22 = arith.mulf %div3A_21, %dot_general3A_18 : vector<2048x2048xf32>
    %reduce_min3A = arith.constant dense<0x7F800000> : vector<2048xf32>
    %reduce_min3A_23 = vector.multi_reduction <minimumf>, %mul3A_22, %reduce_min3A [1] : vector<2048x2048xf32> to vector<2048xf32>
    %broadcast_in_dim3A_24 = vector.shape_cast %reduce_min3A_23 : vector<2048xf32> to vector<2048x1xf32>
    %eq3A = vector.broadcast %broadcast_in_dim3A_24 : vector<2048x1xf32> to vector<2048x2048xf32>
    %eq3A_25 = arith.cmpf oeq, %mul3A_22, %eq3A : vector<2048x2048xf32>
    %jit3A = arith.constant 2048 : i32
    %broadcast_in_dim3A_26 = vector.broadcast %jit3A : i32 to vector<2048x2048xi32>
    %select_n3A = arith.select %eq3A_25, %iota3A, %broadcast_in_dim3A_26 : vector<2048x2048xi1>, vector<2048x2048xi32>
    %reduce_min3A_27 = arith.constant dense<2147483647> : vector<2048xi32>
    %reduce_min3A_28 = vector.multi_reduction <minsi>, %select_n3A, %reduce_min3A_27 [1] : vector<2048x2048xi32> to vector<2048xi32>
    %broadcast_in_dim3A_29 = vector.shape_cast %reduce_min3A_28 : vector<2048xi32> to vector<2048x1xi32>
    %add3A = arith.constant 0 : i32
    %add3A_30 = vector.broadcast %add3A : i32 to vector<2048x1xi32>
    %add3A_31 = arith.addi %broadcast_in_dim3A_29, %add3A_30 : vector<2048x1xi32>
    %lt3A = arith.cmpf olt, %broadcast_in_dim3A_24, %broadcast_in_dim3A_15 : vector<2048x1xf32>
    %convert_element_type3A_32 = arith.truncf %broadcast_in_dim3A_24 : vector<2048x1xf32> to vector<2048x1xbf16>
    %convert_element_type3A_33 = arith.extf %convert_element_type3A_32 : vector<2048x1xbf16> to vector<2048x1xf32>
    %select_n3A_34 = arith.select %lt3A, %convert_element_type3A_33, %broadcast_in_dim3A_15 : vector<2048x1xi1>, vector<2048x1xf32>
    %select_n3A_35 = arith.select %lt3A, %add3A_31, %broadcast_in_dim3A_17 : vector<2048x1xi1>, vector<2048x1xi32>
    %slice3A_36 = vector.extract_strided_slice %convert_element_type3A_13 {offsets = [2048, 0], sizes = [2048, 32], strides = [1, 1]} : vector<8192x32xbf16> to vector<2048x32xbf16>
    %dot_general3A_37 = arith.constant dense<0.000000e+00> : vector<2048x2048xf32>
    %dot_general3A_38 = tpu.matmul %convert_element_type3A, %slice3A_36, %dot_general3A_37 {dimension_numbers = #tpu.dot_dimension_numbers<[1], [1], [0], [0], [0, 0, 1, 0], [], []>, transpose_lhs_hint = false} : vector<2048x32xbf16>, vector<2048x32xbf16>, vector<2048x2048xf32> -> vector<2048x2048xf32>
    %slice3A_39 = vector.extract_strided_slice %transpose3A {offsets = [0, 2048], sizes = [1, 2048], strides = [1, 1]} : vector<1x8192xf32> to vector<1x2048xf32>
    %div3A_40 = vector.broadcast %mul3A_8 : vector<2048x1xf32> to vector<2048x2048xf32>
    %div3A_41 = vector.broadcast %slice3A_39 : vector<1x2048xf32> to vector<2048x2048xf32>
    %div3A_42 = arith.divf %div3A_40, %div3A_41 : vector<2048x2048xf32>
    %mul3A_43 = arith.mulf %div3A_42, %dot_general3A_38 : vector<2048x2048xf32>
    %reduce_min3A_44 = arith.constant dense<0x7F800000> : vector<2048xf32>
    %reduce_min3A_45 = vector.multi_reduction <minimumf>, %mul3A_43, %reduce_min3A_44 [1] : vector<2048x2048xf32> to vector<2048xf32>
    %broadcast_in_dim3A_46 = vector.shape_cast %reduce_min3A_45 : vector<2048xf32> to vector<2048x1xf32>
    %eq3A_47 = vector.broadcast %broadcast_in_dim3A_46 : vector<2048x1xf32> to vector<2048x2048xf32>
    %eq3A_48 = arith.cmpf oeq, %mul3A_43, %eq3A_47 : vector<2048x2048xf32>
    %jit3A_49 = arith.constant 2048 : i32
    %broadcast_in_dim3A_50 = vector.broadcast %jit3A_49 : i32 to vector<2048x2048xi32>
    %select_n3A_51 = arith.select %eq3A_48, %iota3A, %broadcast_in_dim3A_50 : vector<2048x2048xi1>, vector<2048x2048xi32>
    %reduce_min3A_52 = arith.constant dense<2147483647> : vector<2048xi32>
    %reduce_min3A_53 = vector.multi_reduction <minsi>, %select_n3A_51, %reduce_min3A_52 [1] : vector<2048x2048xi32> to vector<2048xi32>
    %broadcast_in_dim3A_54 = vector.shape_cast %reduce_min3A_53 : vector<2048xi32> to vector<2048x1xi32>
    %add3A_55 = arith.constant 2048 : i32
    %add3A_56 = vector.broadcast %add3A_55 : i32 to vector<2048x1xi32>
    %add3A_57 = arith.addi %broadcast_in_dim3A_54, %add3A_56 : vector<2048x1xi32>
    %lt3A_58 = arith.cmpf olt, %broadcast_in_dim3A_46, %select_n3A_34 : vector<2048x1xf32>
    %convert_element_type3A_59 = arith.truncf %broadcast_in_dim3A_46 : vector<2048x1xf32> to vector<2048x1xbf16>
    %convert_element_type3A_60 = arith.extf %convert_element_type3A_59 : vector<2048x1xbf16> to vector<2048x1xf32>
    %select_n3A_61 = arith.select %lt3A_58, %convert_element_type3A_60, %select_n3A_34 : vector<2048x1xi1>, vector<2048x1xf32>
    %select_n3A_62 = arith.select %lt3A_58, %add3A_57, %select_n3A_35 : vector<2048x1xi1>, vector<2048x1xi32>
    %slice3A_63 = vector.extract_strided_slice %convert_element_type3A_13 {offsets = [4096, 0], sizes = [2048, 32], strides = [1, 1]} : vector<8192x32xbf16> to vector<2048x32xbf16>
    %dot_general3A_64 = arith.constant dense<0.000000e+00> : vector<2048x2048xf32>
    %dot_general3A_65 = tpu.matmul %convert_element_type3A, %slice3A_63, %dot_general3A_64 {dimension_numbers = #tpu.dot_dimension_numbers<[1], [1], [0], [0], [0, 0, 1, 0], [], []>, transpose_lhs_hint = false} : vector<2048x32xbf16>, vector<2048x32xbf16>, vector<2048x2048xf32> -> vector<2048x2048xf32>
    %slice3A_66 = vector.extract_strided_slice %transpose3A {offsets = [0, 4096], sizes = [1, 2048], strides = [1, 1]} : vector<1x8192xf32> to vector<1x2048xf32>
    %div3A_67 = vector.broadcast %mul3A_8 : vector<2048x1xf32> to vector<2048x2048xf32>
    %div3A_68 = vector.broadcast %slice3A_66 : vector<1x2048xf32> to vector<2048x2048xf32>
    %div3A_69 = arith.divf %div3A_67, %div3A_68 : vector<2048x2048xf32>
    %mul3A_70 = arith.mulf %div3A_69, %dot_general3A_65 : vector<2048x2048xf32>
    %reduce_min3A_71 = arith.constant dense<0x7F800000> : vector<2048xf32>
    %reduce_min3A_72 = vector.multi_reduction <minimumf>, %mul3A_70, %reduce_min3A_71 [1] : vector<2048x2048xf32> to vector<2048xf32>
    %broadcast_in_dim3A_73 = vector.shape_cast %reduce_min3A_72 : vector<2048xf32> to vector<2048x1xf32>
    %eq3A_74 = vector.broadcast %broadcast_in_dim3A_73 : vector<2048x1xf32> to vector<2048x2048xf32>
    %eq3A_75 = arith.cmpf oeq, %mul3A_70, %eq3A_74 : vector<2048x2048xf32>
    %jit3A_76 = arith.constant 2048 : i32
    %broadcast_in_dim3A_77 = vector.broadcast %jit3A_76 : i32 to vector<2048x2048xi32>
    %select_n3A_78 = arith.select %eq3A_75, %iota3A, %broadcast_in_dim3A_77 : vector<2048x2048xi1>, vector<2048x2048xi32>
    %reduce_min3A_79 = arith.constant dense<2147483647> : vector<2048xi32>
    %reduce_min3A_80 = vector.multi_reduction <minsi>, %select_n3A_78, %reduce_min3A_79 [1] : vector<2048x2048xi32> to vector<2048xi32>
    %broadcast_in_dim3A_81 = vector.shape_cast %reduce_min3A_80 : vector<2048xi32> to vector<2048x1xi32>
    %add3A_82 = arith.constant 4096 : i32
    %add3A_83 = vector.broadcast %add3A_82 : i32 to vector<2048x1xi32>
    %add3A_84 = arith.addi %broadcast_in_dim3A_81, %add3A_83 : vector<2048x1xi32>
    %lt3A_85 = arith.cmpf olt, %broadcast_in_dim3A_73, %select_n3A_61 : vector<2048x1xf32>
    %convert_element_type3A_86 = arith.truncf %broadcast_in_dim3A_73 : vector<2048x1xf32> to vector<2048x1xbf16>
    %convert_element_type3A_87 = arith.extf %convert_element_type3A_86 : vector<2048x1xbf16> to vector<2048x1xf32>
    %select_n3A_88 = arith.select %lt3A_85, %convert_element_type3A_87, %select_n3A_61 : vector<2048x1xi1>, vector<2048x1xf32>
    %select_n3A_89 = arith.select %lt3A_85, %add3A_84, %select_n3A_62 : vector<2048x1xi1>, vector<2048x1xi32>
    %slice3A_90 = vector.extract_strided_slice %convert_element_type3A_13 {offsets = [6144, 0], sizes = [2048, 32], strides = [1, 1]} : vector<8192x32xbf16> to vector<2048x32xbf16>
    %dot_general3A_91 = arith.constant dense<0.000000e+00> : vector<2048x2048xf32>
    %dot_general3A_92 = tpu.matmul %convert_element_type3A, %slice3A_90, %dot_general3A_91 {dimension_numbers = #tpu.dot_dimension_numbers<[1], [1], [0], [0], [0, 0, 1, 0], [], []>, transpose_lhs_hint = false} : vector<2048x32xbf16>, vector<2048x32xbf16>, vector<2048x2048xf32> -> vector<2048x2048xf32>
    %slice3A_93 = vector.extract_strided_slice %transpose3A {offsets = [0, 6144], sizes = [1, 2048], strides = [1, 1]} : vector<1x8192xf32> to vector<1x2048xf32>
    %div3A_94 = vector.broadcast %mul3A_8 : vector<2048x1xf32> to vector<2048x2048xf32>
    %div3A_95 = vector.broadcast %slice3A_93 : vector<1x2048xf32> to vector<2048x2048xf32>
    %div3A_96 = arith.divf %div3A_94, %div3A_95 : vector<2048x2048xf32>
    %mul3A_97 = arith.mulf %div3A_96, %dot_general3A_92 : vector<2048x2048xf32>
    %reduce_min3A_98 = arith.constant dense<0x7F800000> : vector<2048xf32>
    %reduce_min3A_99 = vector.multi_reduction <minimumf>, %mul3A_97, %reduce_min3A_98 [1] : vector<2048x2048xf32> to vector<2048xf32>
    %broadcast_in_dim3A_100 = vector.shape_cast %reduce_min3A_99 : vector<2048xf32> to vector<2048x1xf32>
    %eq3A_101 = vector.broadcast %broadcast_in_dim3A_100 : vector<2048x1xf32> to vector<2048x2048xf32>
    %eq3A_102 = arith.cmpf oeq, %mul3A_97, %eq3A_101 : vector<2048x2048xf32>
    %jit3A_103 = arith.constant 2048 : i32
    %broadcast_in_dim3A_104 = vector.broadcast %jit3A_103 : i32 to vector<2048x2048xi32>
    %select_n3A_105 = arith.select %eq3A_102, %iota3A, %broadcast_in_dim3A_104 : vector<2048x2048xi1>, vector<2048x2048xi32>
    %reduce_min3A_106 = arith.constant dense<2147483647> : vector<2048xi32>
    %reduce_min3A_107 = vector.multi_reduction <minsi>, %select_n3A_105, %reduce_min3A_106 [1] : vector<2048x2048xi32> to vector<2048xi32>
    %broadcast_in_dim3A_108 = vector.shape_cast %reduce_min3A_107 : vector<2048xi32> to vector<2048x1xi32>
    %add3A_109 = arith.constant 6144 : i32
    %add3A_110 = vector.broadcast %add3A_109 : i32 to vector<2048x1xi32>
    %add3A_111 = arith.addi %broadcast_in_dim3A_108, %add3A_110 : vector<2048x1xi32>
    %lt3A_112 = arith.cmpf olt, %broadcast_in_dim3A_100, %select_n3A_88 : vector<2048x1xf32>
    %select_n3A_113 = arith.select %lt3A_112, %add3A_111, %select_n3A_89 : vector<2048x1xi1>, vector<2048x1xi32>
    %squeeze3A = vector.shape_cast %select_n3A_113 : vector<2048x1xi32> to vector<2048xi32>
    %swap3A = arith.constant 0 : index
    %swap3A_114 = vector.load %arg3[%swap3A] : memref<2048xi32, #tpu.memory_space<vmem>>, vector<2048xi32>
    tpu.vector_store %arg3[%swap3A], %squeeze3A {strides = array<i32>} : memref<2048xi32, #tpu.memory_space<vmem>>, vector<2048xi32>,
    %eq3A_115 = arith.constant 0 : i32
    %eq3A_116 = arith.cmpi eq, %arg0, %eq3A_115 : i32
    %convert_element_type3A_117 = arith.extui %eq3A_116 : i1 to i32
    %cond3A = arith.constant 0 : i32
    %cond3A_118 = arith.cmpi ne, %convert_element_type3A_117, %cond3A : i32
    scf.if %cond3A_118 {
      %broadcast_in_dim3A_119 = arith.constant 0.000000e+00 : f32
      %broadcast_in_dim3A_120 = vector.broadcast %broadcast_in_dim3A_119 : f32 to vector<8192x96xf32>
      %concatenate3A = tpu.concatenate %get3A_4, %broadcast_in_dim3A_120 in 1 : vector<8192x32xf32>, vector<8192x96xf32> -> vector<8192x128xf32>
      %swap3A_121 = arith.constant 0 : index
      %swap3A_122 = arith.constant 0 : index
      %swap3A_123 = vector.load %arg4[%swap3A_121, %swap3A_122] : memref<8192x128xf32, #tpu.memory_space<vmem>>, vector<8192x128xf32>
      tpu.vector_store %arg4[%swap3A_121, %swap3A_122], %concatenate3A {strides = array<i32>} : memref<8192x128xf32, #tpu.memory_space<vmem>>, vector<8192x128xf32>,
    } else {
    }
    return
  }
  func.func @transform_0(%arg0: i32) -> (i32, i32) {
    %c0_i32 = arith.constant 0 : i32
    %c0_i32_0 = arith.constant 0 : i32
    return %arg0, %c0_i32 : i32, i32
  }
  func.func @transform_1(%arg0: i32) -> (i32, i32) {
    %c0_i32 = arith.constant 0 : i32
    %c0_i32_0 = arith.constant 0 : i32
    %c0_i32_1 = arith.constant 0 : i32
    return %c0_i32, %c0_i32_0 : i32, i32
  }
  func.func @transform_2(%arg0: i32) -> i32 {
    %c0_i32 = arith.constant 0 : i32
    return %arg0 : i32
  }
  func.func @transform_3(%arg0: i32) -> (i32, i32) {
    %c0_i32 = arith.constant 0 : i32
    %c0_i32_0 = arith.constant 0 : i32
    %c0_i32_1 = arith.constant 0 : i32
    return %c0_i32, %c0_i32_0 : i32, i32
  }
}

module attributes {stable_mosaic.version = 14 : i64} {
  func.func @_st_loss_kernel(%arg0: i32, %arg1: memref<8192x32xf32, #tpu.memory_space<vmem>>, %arg2: memref<8192x128xf32, #tpu.memory_space<vmem>>, %arg3: memref<8192x32xf32, #tpu.memory_space<vmem>>, %arg4: memref<1x1xf32, #tpu.memory_space<vmem>>) attributes {dimension_semantics = [#tpu.dimension_semantics<arbitrary>], iteration_bounds = array<i64: 1>, scalar_prefetch = 0 : i64, scratch_operands = 0 : i64, tpu.core_type = #tpu.core_type<tc>, window_params = [{pipeline_mode = #tpu.pipeline_mode<synchronous>, transform_indices = @transform_0, window_bounds = array<i64: 8192, 32>}, {pipeline_mode = #tpu.pipeline_mode<synchronous>, transform_indices = @transform_1, window_bounds = array<i64: 8192, 128>}, {pipeline_mode = #tpu.pipeline_mode<synchronous>, transform_indices = @transform_2, window_bounds = array<i64: 8192, 32>}, {pipeline_mode = #tpu.pipeline_mode<synchronous>, transform_indices = @transform_3, window_bounds = array<i64: 1, 1>}]} {
    %get3A = arith.constant 0 : index
    %get3A_0 = arith.constant 0 : index
    %get3A_1 = vector.load %arg1[%get3A, %get3A_0] : memref<8192x32xf32, #tpu.memory_space<vmem>>, vector<8192x32xf32>
    %get3A_2 = arith.constant 0 : index
    %get3A_3 = arith.constant 0 : index
    %get3A_4 = vector.load %arg2[%get3A_2, %get3A_3] : memref<8192x128xf32, #tpu.memory_space<vmem>>, vector<8192x32xf32>
    %sub3A = arith.subf %get3A_4, %get3A_1 : vector<8192x32xf32>
    %add3A = arith.addf %get3A_1, %sub3A : vector<8192x32xf32>
    %swap3A = arith.constant 0 : index
    %swap3A_5 = arith.constant 0 : index
    %swap3A_6 = vector.load %arg3[%swap3A, %swap3A_5] : memref<8192x32xf32, #tpu.memory_space<vmem>>, vector<8192x32xf32>
    tpu.vector_store %arg3[%swap3A, %swap3A_5], %add3A {strides = array<i32>} : memref<8192x32xf32, #tpu.memory_space<vmem>>, vector<8192x32xf32>,
    %sub3A_7 = arith.subf %get3A_4, %get3A_1 : vector<8192x32xf32>
    %integer_pow3A = arith.mulf %sub3A_7, %sub3A_7 : vector<8192x32xf32>
    %reduce_sum3A = vector.shape_cast %integer_pow3A : vector<8192x32xf32> to vector<1x8192x32xf32>
    %reduce_sum3A_8 = arith.constant dense<0.000000e+00> : vector<1xf32>
    %reduce_sum3A_9 = vector.multi_reduction <add>, %reduce_sum3A, %reduce_sum3A_8 [1, 2] : vector<1x8192x32xf32> to vector<1xf32>
    %reduce_sum3A_10 = vector.shape_cast %reduce_sum3A_9 : vector<1xf32> to vector<1x1x1xf32>
    %reduce_sum3A_11 = vector.extract %reduce_sum3A_10[0, 0, 0] : f32 from vector<1x1x1xf32>
    %reshape3A = vector.broadcast %reduce_sum3A_11 : f32 to vector<1x1xf32>
    %swap3A_12 = arith.constant 0 : index
    %swap3A_13 = arith.constant 0 : index
    %swap3A_14 = vector.load %arg4[%swap3A_12, %swap3A_13] : memref<1x1xf32, #tpu.memory_space<vmem>>, vector<1x1xf32>
    tpu.vector_store %arg4[%swap3A_12, %swap3A_13], %reshape3A {strides = array<i32>} : memref<1x1xf32, #tpu.memory_space<vmem>>, vector<1x1xf32>,
    return
  }
  func.func @transform_0(%arg0: i32) -> (i32, i32) {
    %c0_i32 = arith.constant 0 : i32
    %c0_i32_0 = arith.constant 0 : i32
    %c0_i32_1 = arith.constant 0 : i32
    return %c0_i32, %c0_i32_0 : i32, i32
  }
  func.func @transform_1(%arg0: i32) -> (i32, i32) {
    %c0_i32 = arith.constant 0 : i32
    %c0_i32_0 = arith.constant 0 : i32
    %c0_i32_1 = arith.constant 0 : i32
    return %c0_i32, %c0_i32_0 : i32, i32
  }
  func.func @transform_2(%arg0: i32) -> (i32, i32) {
    %c0_i32 = arith.constant 0 : i32
    %c0_i32_0 = arith.constant 0 : i32
    %c0_i32_1 = arith.constant 0 : i32
    return %c0_i32, %c0_i32_0 : i32, i32
  }
  func.func @transform_3(%arg0: i32) -> (i32, i32) {
    %c0_i32 = arith.constant 0 : i32
    %c0_i32_0 = arith.constant 0 : i32
    %c0_i32_1 = arith.constant 0 : i32
    return %c0_i32, %c0_i32_0 : i32, i32
  }
}

</mosaic_0001>

<sc_bundles>
// kernel: kernel.5.cloned.1.call-start
scs
__scs_entry_jumppad:
0x0: {  	(pc) =	sbr.rel $0x88, $3  }
0x1: {  	(tag) =	ssettag $0x0;
	lr =	simm.s32 $0x1  }
0x2: {  	[smem:$0x3F9F] =	sst lr;
	_ =	strace $0xD0000000  }
0x3: {  	_ = 	snop  }
0x4: {  	_ = 	snop  }
0x5: {  	_ = 	snop  }
0x6: {  	_ = 	snop  }
0x7: {  	_ = 	snop  }
__scs_overlays_trampoline_lowered:
0x8: {  	[smem:$0x3FAE] =	sst s0  }
0x9: {  	[smem:$0x3FAF] =	sst s1  }
0xa: {  	[smem:$0x3FB0] =	sst s2  }
0xb: {  	[smem:$0x3FB1] =	sst s3  }
0xc: {  	[smem:$0x3FB2] =	sst s4  }
0xd: {  	[smem:$0x3FB3] =	sst s5  }
0xe: {  	[smem:$0x3FB4] =	sst s6  }
0xf: {  	[smem:$0x3FB5] =	sst s7  }
0x10: {  	[smem:$0x3FB6] =	sst s8  }
0x11: {  	[smem:$0x3FB7] =	sst s9;
	s0 =	simm.s32 @!p0 $0x0  }
0x12: {  	s1 =	sld [smem:$0x3F9D];
	s0 =	simm.s32 @p0 $0x1  }
0x13: {  	[smem:$0x3FB8] =	sst s0;
	s0 =	simm.s32 @!p1 $0x0  }
0x14: {  	s2 =	sld [smem:$0x3F9C];
	s0 =	simm.s32 @p1 $0x1  }
0x15: {  	[smem:$0x3FB9] =	sst s0;
	s0 =	simm.s32 @!p2 $0x0  }
0x16: {  	s3 =	sld [smem:$0x3FDB];
	s0 =	simm.s32 @p2 $0x1  }
0x17: {  	s4 =	simm.s32 $0x1BF5;
	[smem:$0x3FBB] =	sst s0  }
0x18: {  	s0 =	sld [smem:$0x3F9E];
	_ =	swait.ge [sflag:s4], $0x0  }
0x19: {  	s7 =	sld [smem:$0x3F9F]  }
0x1a: {  	s8 =	sadd.s32 $0xFFFFE003, lr  }
0x1b: {  	s9 =	sadd.s32 $0xFFFFFEF7, lr;
	s5 =	simm.s32 $0xFFFFFFFF;
	p2 =	slt.u32 s8, $0xFFFFF086  }
0x1c: {  	p1 =	slt.u32 s9, $0xF7A;
	s5 =	simm.s32 @!p2 $0x0  }
0x1d: {  	s5 =	simm.s32 @p1 $0x1;
	p0 =	seq.s32 s7, s2  }
0x1e: {  	s7 =	smul.u32 @!p0 $0xF7A, s2;
	p2 =	seq.s32 @!p0 s5, $0x0  }
0x1f: {  	s9 =	smul.u32 $0xF7A, s1;
	s8 =	simm.s32 @!p0 $0x1BF5;
	p2 =	por !p2, p0  }
0x20: {  	[sflag:s8] =	ssyncset.s32 @!p0 $0xFFFFF086;
	s6 =	sadd.s32 @!p0 s3, s7;
	s7 =	simm.s32 @!p0 $0x108  }
0x21: {  	s3 =	sadd.s32 s3, s9;
	s6 =	sadd.s32 @!p0 $0x88, s6;
	s7 =	simm.s32 @p2 $0x1082  }
0x22: {  	[simem:s7], [sflag:s8] =	dma.local @!p0 [hbm:s6], $0xF7A  }
0x23: {  	s9 =	sor.u32 $0xD0000000, s2;
	s6 =	simm.s32 $0x108;
	_ =	swait.ge @!p0 [sflag:s8], $0x0  }
0x24: {  	s3 =	sadd.s32 $0x88, s3;
	s6 =	simm.s32 @!p1 $0x1082;
	[sflag:s4] =	ssyncset.s32 $0xFFFFF086  }
0x25: {  	[simem:s6], [sflag:s4] =	dma.local [hbm:s3], $0xF7A  }
0x26: {  	[smem:$0x3F9F] =	sst s1;
	(tag) =	ssettag s2;
	_ =	strace s9  }
0x27: {  	s1 =	sld [smem:$0x3FAF]  }
0x28: {  	s2 =	sld [smem:$0x3FB0]  }
0x29: {  	s4 =	sld [smem:$0x3FB2]  }
0x2a: {  	p0 =	seq.s32 s5, $0x0;
	s5 =	sld [smem:$0x3FB3]  }
0x2b: {  	s6 =	sld [smem:$0x3FB4]  }
0x2c: {  	s7 =	sld [smem:$0x3FB5]  }
0x2d: {  	s3 =	simm.s32 $0x108;
	s8 =	sld [smem:$0x3FB6]  }
0x2e: {  	s3 =	simm.s32 @!p0 $0x1082;
	s9 =	sld [smem:$0x3FB7]  }
0x2f: {  	lr =	sadd.s32 s0, s3;
	s0 =	sld [smem:$0x3FAE]  }
0x30: {  	s3 =	sld [smem:$0x3FB1]  }
0x31: {  	[smem:$0x3FBA] =	sst s10  }
0x32: {  	s10 =	sld [smem:$0x3FB8];
	_ =	sdelay $0x3  }
0x33: {  	p0 =	seq.s32 s10, $0x1;
	s10 =	sld [smem:$0x3FBA];
	_ =	sdelay $0x3  }
0x34: {  	[smem:$0x3FBA] =	sst s10  }
0x35: {  	s10 =	sld [smem:$0x3FB9];
	_ =	sdelay $0x3  }
0x36: {  	p1 =	seq.s32 s10, $0x1;
	s10 =	sld [smem:$0x3FBA];
	_ =	sdelay $0x3  }
0x37: {  	[smem:$0x3FBA] =	sst s10  }
0x38: {  	s10 =	sld [smem:$0x3FBB]  }
0x39: {  	_ = 	snop;
	(pc) =	sbr.ind lr, $3  }
0x3a: {  	_ = 	snop  }
0x3b: {  	_ = 	snop  }
0x3c: {  	p2 =	seq.s32 s10, $0x1;
	s10 =	sld [smem:$0x3FBA]  }
0x3d: {  	_ =	shalt  }
0x3e: {  	_ =	shalt  }
0x3f: {  	_ =	shalt  }
0x40: {  	_ =	shalt  }
0x41: {  	_ =	shalt  }
0x42: {  	_ =	shalt  }
0x43: {  	_ =	shalt  }
0x44: {  	_ =	shalt  }
0x45: {  	_ =	shalt  }
0x46: {  	_ =	shalt  }
0x47: {  	_ =	shalt  }
0x48: {  	_ =	shalt  }
0x49: {  	_ =	shalt  }
0x4a: {  	_ =	shalt  }
0x4b: {  	_ =	shalt  }
0x4c: {  	_ =	shalt  }
0x4d: {  	_ =	shalt  }
0x4e: {  	_ =	shalt  }
0x4f: {  	_ =	shalt  }
0x50: {  	_ =	shalt  }
0x51: {  	_ =	shalt  }
0x52: {  	_ =	shalt  }
0x53: {  	_ =	shalt  }
0x54: {  	_ =	shalt  }
0x55: {  	_ =	shalt  }
0x56: {  	_ =	shalt  }
0x57: {  	_ =	shalt  }
0x58: {  	_ =	shalt  }
0x59: {  	_ =	shalt  }
0x5a: {  	_ =	shalt  }
0x5b: {  	_ =	shalt  }
0x5c: {  	_ =	shalt  }
0x5d: {  	_ =	shalt  }
0x5e: {  	_ =	shalt  }
0x5f: {  	_ =	shalt  }
0x60: {  	_ =	shalt  }
0x61: {  	_ =	shalt  }
0x62: {  	_ =	shalt  }
0x63: {  	_ =	shalt  }
0x64: {  	_ =	shalt  }
0x65: {  	_ =	shalt  }
0x66: {  	_ =	shalt  }
0x67: {  	_ =	shalt  }
0x68: {  	_ =	shalt  }
0x69: {  	_ =	shalt  }
0x6a: {  	_ =	shalt  }
0x6b: {  	_ =	shalt  }
0x6c: {  	_ =	shalt  }
0x6d: {  	_ =	shalt  }
0x6e: {  	_ =	shalt  }
0x6f: {  	_ =	shalt  }
0x70: {  	_ =	shalt  }
0x71: {  	_ =	shalt  }
0x72: {  	_ =	shalt  }
0x73: {  	_ =	shalt  }
0x74: {  	_ =	shalt  }
0x75: {  	_ =	shalt  }
0x76: {  	_ =	shalt  }
0x77: {  	_ =	shalt  }
0x78: {  	_ =	shalt  }
0x79: {  	_ =	shalt  }
0x7a: {  	_ =	shalt  }
0x7b: {  	_ =	shalt  }
0x7c: {  	_ =	shalt  }
0x7d: {  	_ =	shalt  }
0x7e: {  	_ =	shalt  }
0x7f: {  	_ =	shalt  }
0x80: {  	_ =	shalt  }
0x81: {  	_ =	shalt  }
0x82: {  	_ =	shalt  }
0x83: {  	_ =	shalt  }
0x84: {  	_ =	shalt  }
0x85: {  	_ =	shalt  }
0x86: {  	_ =	shalt  }
0x87: {  	_ =	shalt  }
.Lfunc_end0:
.L_simem_size_0:
called_computation_lowered:
.L_overlay_start_0:
0x88: {  	s2 =	sld [smem:$0x3FD9]  }
0x89: {  	s3 =	sld [smem:$0x3FFE];
	_ =	sdelay $0x1  }
0x8a: {  	s1 =	srdreg.scid  }
0x8b: {  	s0 =	sand.u32 $0x1, s1  }
0x8c: {  	s14 =	sshll.u32 s0, $0xA;
	s2 =	sadd.s32 s3, s2  }
0x8d: {  	s2 =	sadd.s32 s2, s14  }
0x8e: {  	[smem:$0x3FC6] =	sst s2  }
0x8f: {  	_ = 	snop  }
0x90: {  	s2 =	sld [smem:$0x3FD0];
	_ =	sdelay $0x2  }
0x91: {  	s15 =	simm.s32 $0xA;
	s4 =	simm.s32 $0x10  }
0x92: {  	[smem:s4], [sflag:s15] =	dma.local [hbm:s2], $0x1  }
0x93: {  	_ =	swait.eq [sflag:s15], $0x1  }
0x94: {  	[sflag:s15] =	ssyncset.done $0x0  }
0x95: {  	[sflag:s15] =	ssyncadd.s32 $0xFFFFFFFF  }
0x96: {  	s16 =	sld [smem:$0x10];
	(tm) =	ssettm $0x1  }
0x97: {  	s17 =	sld [smem:$0x3FFB];
	_ =	sdelay $0x3  }
0x98: {  	_ =	strace s17  }
0x99: {  	s3 =	sld [smem:$0x3FFC];
	_ =	sdelay $0x3  }
0x9a: {  	_ =	strace s3  }
0x9b: {  	s3 =	sld [smem:$0x3FFD];
	_ =	sdelay $0x3  }
0x9c: {  	_ =	strace s3  }
0x9d: {  	_ =	strace $0x8FFFFFFF  }
0x9e: {  	s18 =	sld [smem:$0x3FDB];
	_ =	sdelay $0x1  }
0x9f: {  	s19 =	simm.s32 $_scs_section_size  }
0xa0: {  	s5 =	simm.s32 $_size__tile_overlayer_lowered;
	s6 =	simm.s32 $_tile_overlayer_lowered  }
0xa1: {  	s22 =	simm.s32 $0x1BFF;
	s21 =	sshll.u32 s6, $0x1;
	s3 =	sadd.s32 s19, s18  }
0xa2: {  	s7 =	simm.s32 $0x0;
	s20 =	sshll.u32 s5, $0x1;
	s5 =	sadd.s32 s21, s3  }
0xa3: {  	[timem:s7], [sflag:s22] =	dma.local [hbm:s5], s20  }
0xa4: {  	_ =	swait.ge [sflag:s22], s20  }
0xa5: {  	s4 =	ssub.s32 $0x0, s20;
	[sflag:s22] =	ssyncset.done $0x0  }
0xa6: {  	[sflag:s22] =	ssyncadd.s32 s4;
	_ =	sdelay $0x1  }
0xa7: {  	s23 =	simm.s32 $0x1B8B  }
0xa8: {  	_ =	swait.ge [sflag:s23], $0x1  }
0xa9: {  	[sflag:s23] =	ssyncset.done $0x0  }
0xaa: {  	s25 =	simm.s32 $0x1B8E;
	s24 =	sld [smem:$0x3FFE];
	[sflag:s23] =	ssyncadd.s32 $0xFFFFFFFF  }
0xab: {  	s26 =	simm.s32 $execute0_lowered;
	[smem:$0x3FD2] =	sst s25  }
0xac: {  	s5 =	sshll.u32 s26, $0x1;
	_ =	strace $0x80000046;
	[dreg:$0x1] =	wrdreg $0xFFFFFFFF  }
0xad: {  	s28 =	simm.s32 $_size_execute0_lowered;
	s3 =	sadd.s32 s3, s5;
	[dreg:$0x0] =	wrdreg $0x0  }
0xae: {  	s5 =	sshll.u32 s28, $0x1;
	[dreg:$0x2] =	wrdreg s3  }
0xaf: {  	[dreg:$0x3] =	wrdreg s5  }
0xb0: {  	[dreg:$0x4] =	wrdreg $0xC0  }
0xb1: {  	_ =	task [dreg:s7], $0x5FFFF  }
0xb2: {  	[dreg:$0x1] =	wrdreg $0xFFFFFFFF  }
0xb3: {  	[dreg:$0x0] =	wrdreg $0x60  }
0xb4: {  	[dreg:$0x2] =	wrdreg s24  }
0xb5: {  	[dreg:$0x3] =	wrdreg s16  }
0xb6: {  	[dreg:$0x4] =	wrdreg $0x9  }
0xb7: {  	_ =	task.clear_ibuf [dreg:s7], $0x5FFFF;
	_ =	strace $0x90000046  }
0xb8: {  	s29 =	simm.s32 $0x9;
	_ =	strace $0x80000048  }
0xb9: {  	_ =	swait.ge [sflag:s29], $0x1  }
0xba: {  	[sflag:s29] =	ssyncadd.s32 $0xFFFFFFFF  }
0xbb: {  	_ =	strace $0x90000048  }
0xbc: {  	_ =	sfence  }
0xbd: {  	s30 =	sld [smem:$0x0];
	_ =	sdelay $0x2  }
0xbe: {  	s31 =	sshll.u32 s1, $0xD;
	s1 =	sshrl.u32 s1, $0x2  }
0xbf: {  	s3 =	sand.u32 $0x4000, s31;
	s1 =	sadd.s32 s1, s30  }
0xc0: {  	s0 =	sor.u32 s3, s0;
	s1 =	sshll.u32 s1, $0x11  }
0xc1: {  	s0 =	sor.u32 s1, s0  }
0xc2: {  	s0 =	sadd.s32 $0x8F2B, s0  }
0xc3: {  	[sflag:s0] =	ssyncadd.remote.s32 $0x1  }
0xc4: {  	_ =	sfence.sel $0xFFFF  }
0xc5: {  	[dreg:$0x0] =	wrdreg $0xFFFFFFFF;
	(pc) =	sbr.abs _section_cstart, $3  }
0xc6: {  	[dreg:$0x1] =	wrdreg $0xFFFFFFFF  }
0xc7: {  	_ =	task.clear_ibuf [dreg:s7], $0x2FFFF;
	_ =	strace $0x9FFFFFFF  }
0xc8: {  	(tm) =	ssettm $0x7FFFFFFF  }
0xc9: {  	_ =	shalt  }
tec
execute0_lowered:
.L_overlay_start_1:
0x0: {  	(tag) =	ssettag $0x1  }
0x1: {  	s1 =	srdreg.scid  }
0x2: {  	s8 =	rddreg [dreg:$0x0];
	s0 =	stileid.u32  }
0x3: {  	s3 =	rddreg [dreg:$0x1];
	s2 =	simm.s32 $0x0;
	s6 =	sand.u32 $0x1, s1  }
0x4: {  	s4 =	sshll.u32 s0, $0x9;
	s1 =	rddreg [dreg:$0x2];
	s5 =	sshll.u32 s6, $0x8  }
0x5: {  	s7 =	simm.s32 $0x1;
	[smem:$0x7FF] =	sst s2;
	s9 =	sor.u32 s5, s4  }
0x6: {  	_ =	strace $0x80000047;
	s10 =	ssub.s32 $0x2, s6;
	s4 =	sshrl.u32 s9, $0x3  }
0x7: {  	s6 =	simm.s32 $0x100;
	s4 =	sadd.s32 s3, s4;
	s3 =	simm.s32 $0x2  }
0x8: {  	[tilespmem:s2], [sflag:$0x2] =	stream.linear.gather [hbm4b:s4+s2], $0x100, $0x38;
	[tilespmem:$0x8100] =	vst v63  }
0x9: {  	s5 =	sadd.s32 $0x1200, s8;
	s11 =	sshrl.u32 s10, $0x1;
	_ =	swait.ge [sflag:s3], $0x100  }
0xa: {  	s9 =	sshll.u32 s9, $0x4;
	s31 =	ssub.s32 s10, s11;
	[sflag:s3] =	ssyncset.done $0x0  }
0xb: {  	s8 =	sadd.s32 s9, s8;
	s9 =	smax.u32 s31, $0x1;
	[sflag:s3] =	ssyncadd.s32 $0xFFFFFF00  }
0xc: {  	[tilespmem:s6], [sflag:$0x1] =	stream.indirect.gather [hbm4b:s5+s6], $0x80, s2, s6, $0xb8;
	[tilespmem:$0x8100] =	vst v63  }
0xd: {  	p0 =	sne.s32 s9, $0x1;
	_ =	swait.ge [sflag:s7], $0x8000  }
.Ltmp0:
0xe: {  	[sflag:s7] =	ssyncset.done $0x0;
	(pc) =	sbr.rel @!p0 .LBB2_2-.Ltmp0, $4  }
0xf: {  	s8 =	sadd.s32 $0x21200, s8;
	[sflag:s7] =	ssyncadd.s32 $0xFFFF8000  }
0x10: {  	[hbm4b:s8+s2] =	stream.linear.scatter [tilespmem:s6], [sflag:$0x2], $0x8000, $0x38;
	[tilespmem:$0x8100] =	vst v63  }
0x11: {  	_ =	swait.ge [sflag:s3], $0x8000  }
0x12: {  	s9 =	sadd.s32 $0xFFFFFFFF, s9;
	[sflag:s3] =	ssyncset.done $0x0  }
.LBB2_1:
0x13: {  	p0 =	sne.s32 s9, $0x1;
	s9 =	sadd.s32 $0xFFFFFFFF, s9;
	[sflag:s3] =	ssyncadd.s32 $0xFFFF8000  }
0x14: {  	[tilespmem:s2], [sflag:$0x2] =	stream.linear.gather [hbm4b:s4+s2], $0x100, $0x38;
	[tilespmem:$0x8100] =	vst v63  }
0x15: {  	_ =	swait.ge [sflag:s3], $0x100  }
0x16: {  	[sflag:s3] =	ssyncset.done $0x0  }
0x17: {  	[sflag:s3] =	ssyncadd.s32 $0xFFFFFF00  }
0x18: {  	[tilespmem:s6], [sflag:$0x1] =	stream.indirect.gather [hbm4b:s5+s6], $0x80, s2, s6, $0xb8;
	[tilespmem:$0x8100] =	vst v63  }
0x19: {  	_ =	swait.ge [sflag:s7], $0x8000  }
.Ltmp1:
0x1a: {  	[sflag:s7] =	ssyncset.done $0x0;
	(pc) =	sbr.rel @p0 .LBB2_1-.Ltmp1, $4  }
0x1b: {  	[sflag:s7] =	ssyncadd.s32 $0xFFFF8000  }
0x1c: {  	[hbm4b:s8+s2] =	stream.linear.scatter [tilespmem:s6], [sflag:$0x2], $0x8000, $0x38;
	[tilespmem:$0x8100] =	vst v63  }
0x1d: {  	_ =	swait.ge [sflag:s3], $0x8000  }
0x1e: {  	[sflag:s3] =	ssyncset.done $0x0  }
.LBB2_2:
0x1f: {  	[sflag:s3] =	ssyncadd.s32 $0xFFFF8000  }
0x20: {  	_ =	sfence.sel $0x180000  }
0x21: {  	[bflag:$0x0] =	sbarrier.arrive $0xFFFF  }
0x22: {  	p0 =	sne.s32 s0, $0x0;
	_ =	strace $0x90000047  }
0x23: {  	s0 =	sadd.s32 @!p0 $0x100000, s1;
	[bflag:$0x2] =	sbarrier.arrive $0xFFFF  }
0x24: {  	[sflag:s0] =	ssyncadd.tile.s32 @!p0 $0x1;
	_ =	shalt  }
.Lfunc_end2:
_tile_overlayer_lowered:
.L_overlay_start_2:
0x25: {  	(tag) =	ssettag $0x2  }
0x26: {  	s0 =	rddreg [dreg:$0x0];
	s2 =	stileid.u32  }
0x27: {  	s1 =	rddreg [dreg:$0x1];
	p0 =	sne.s32 s2, $0x0  }
0x28: {  	s3 =	rddreg [dreg:$0x2];
	[bflag:$0x3] =	sbarrier.arrive $0xFFFF;
	s2 =	simm.s32 @!p0 $0x1C02  }
0x29: {  	[timem:s3], [sflag:s2] =	dma.local @!p0 [hbm:s0], s1  }
0x2a: {  	s0 =	simm.s32 @!p0 $0x2  }
0x2b: {  	_ =	swait.ge @!p0 [sflag:s0], s1  }
0x2c: {  	s1 =	ssub.s32 @!p0 $0x0, s1;
	[sflag:s0] =	ssyncset.done @!p0 $0x0  }
0x2d: {  	[sflag:s0] =	ssyncadd.s32 @!p0 s1  }
0x2e: {  	[bflag:$0x3] =	sbarrier.arrive $0xFFFF  }
0x2f: {  	_ =	shalt  }

</sc_bundles>
